<compile_context>
chip_gen: v7x
topology: tpu7x:2x2x1
jax: 0.10.2.dev20260603
libtpu: 0.0.44.dev20260713+nightly
codegen_flags: <defaults>
</compile_context>

<pallas_src>
import functools

import jax
import jax.numpy as jnp
from jax import lax
from jax.experimental import pallas as pl
from jax.experimental.pallas import tpu as pltpu
from jax.experimental.pallas import tpu_sc as plsc

NC = 2
NS = 16
NW = NC * NS
L = 16

B, S, D = 4, 2048, 1024
BS = 256

TCB = 3
SCROWS = (B - TCB) * S
RPW = SCROWS // NW
CHUNK = 16
NCHUNK = RPW // CHUNK
CELEMS = CHUNK * D

_mesh = plsc.VectorSubcoreMesh(core_axis_name="c", subcore_axis_name="s")


@functools.partial(
    pl.kernel,
    out_type=jax.ShapeDtypeStruct((SCROWS * D,), jnp.float32),
    mesh=_mesh,
    scratch_types=(
        [pltpu.VMEM((CELEMS,), jnp.float32)] * 5
        + [pltpu.SemaphoreType.DMA] * 3
    ),
)
def _sc_add(x_hbm, pe_hbm, out_hbm, xb0, xb1, xb2, pb0, pb1,
            semx, sempe, semo):
    xbufs = [xb0, xb1, xb2]
    pbufs = [pb0, pb1]
    wid = lax.axis_index("s") * NC + lax.axis_index("c")
    row0 = wid * RPW
    pe_row0 = lax.rem(row0, S)

    def start_in(c):
        base = (row0 + c * CHUNK) * D
        pbase = (pe_row0 + c * CHUNK) * D
        dx = pltpu.async_copy(x_hbm.at[pl.ds(base, CELEMS)],
                              xbufs[c % 3], semx)
        dp = pltpu.async_copy(pe_hbm.at[pl.ds(pbase, CELEMS)],
                              pbufs[c % 2], sempe)
        return dx, dp

    in_descs = [start_in(0)]
    out_descs = []
    for c in range(NCHUNK):
        if c + 1 < NCHUNK:
            if c >= 2:
                out_descs[c - 2].wait()
            in_descs.append(start_in(c + 1))
        dx, dp = in_descs[c]
        dx.wait()
        dp.wait()
        xbuf = xbufs[c % 3]
        pbuf = pbufs[c % 2]

        @plsc.parallel_loop(0, CELEMS, step=L, unroll=8)
        def _add(i):
            plsc.addupdate(xbuf.at[pl.ds(i, L)], pbuf[pl.ds(i, L)])

        base = (row0 + c * CHUNK) * D
        out_descs.append(
            pltpu.async_copy(xbuf, out_hbm.at[pl.ds(base, CELEMS)], semo))
    for d in out_descs[-min(2, NCHUNK):]:
        d.wait()


def _add_body(x_ref, pe_ref, o_ref):
    o_ref[...] = x_ref[...] + pe_ref[...][None]


def _tc_add(x, pos_embedding):
    return pl.pallas_call(
        _add_body,
        grid=(S // BS, TCB),
        in_specs=[
            pl.BlockSpec((1, BS, D), lambda s, b: (b, s, 0)),
            pl.BlockSpec((BS, D), lambda s, b: (s, 0)),
        ],
        out_specs=pl.BlockSpec((1, BS, D), lambda s, b: (b, s, 0)),
        out_shape=jax.ShapeDtypeStruct((TCB, S, D), jnp.float32),
        compiler_params=pltpu.CompilerParams(
            dimension_semantics=("arbitrary", "arbitrary")),
    )(x[:TCB], pos_embedding)


def kernel(x, pos_embedding):
    sc_out = _sc_add(x[TCB:].reshape(-1), pos_embedding.reshape(-1))
    return sc_out

# --- scband reference (transcript-rebuilt; emitter-appended) ---
"""Pipeline reference for scband-positional-encoding-2362232013013 (READ-ONLY COPY).

The authoritative reference and input builder live on the scoring server;
editing this copy changes nothing except your own understanding.
"""

import jax, jax.numpy as jnp
import numpy as np

D_MODEL = 1024
MAX_LEN = 2048
BATCH = 4
SEQ_LEN = 2048


def setup_inputs(seed: int = 0) -> dict:
    key = jax.random.key(seed)
    k_x, k_w = jax.random.split(key)
    x = jax.random.normal(k_x, (BATCH, SEQ_LEN, D_MODEL), dtype=jnp.float32)
    # nn.Embedding default init: N(0, 1)
    pos_embedding = jax.random.normal(k_w, (MAX_LEN, D_MODEL), dtype=jnp.float32)
    return {"x": x, "pos_embedding": pos_embedding}


def reference(x, pos_embedding):
    seq_len = x.shape[1]
    positions = jnp.arange(seq_len)[None, :]            # [1, S]
    pos_embed = jnp.take(pos_embedding, positions, axis=0)  # [1, S, D] gather
    return x + pos_embed

if __name__ == "__main__":
    import jax
    _d = setup_inputs()
    print(jax.jit(kernel)(*tuple(_d.values())))

</pallas_src>

<mosaic_0001>
#map = affine_map<(d0, d1) -> (0)>
module attributes {stable_mosaic.version = 14 : i64} {
  func.func @_sc_add(%arg0: i32, %arg1: i32, %arg2: memref<2097152xf32, #tpu.memory_space<hbm>>, %arg3: memref<2097152xf32, #tpu.memory_space<hbm>>, %arg4: memref<2097152xf32, #tpu.memory_space<hbm>>, %arg5: memref<16384xf32, #tpu.memory_space<vmem>>, %arg6: memref<16384xf32, #tpu.memory_space<vmem>>, %arg7: memref<16384xf32, #tpu.memory_space<vmem>>, %arg8: memref<16384xf32, #tpu.memory_space<vmem>>, %arg9: memref<16384xf32, #tpu.memory_space<vmem>>, %arg10: memref<!tpu.dma_semaphore, #tpu.memory_space<semaphore_mem>>, %arg11: memref<!tpu.dma_semaphore, #tpu.memory_space<semaphore_mem>>, %arg12: memref<!tpu.dma_semaphore, #tpu.memory_space<semaphore_mem>>) attributes {dimension_semantics = [#tpu.dimension_semantics<core_parallel>, #tpu.dimension_semantics<subcore_parallel>], iteration_bounds = array<i64: 2, 16>, scalar_prefetch = 0 : i64, scratch_operands = 8 : i64, tpu.core_type = #tpu.core_type<sc_vector_subcore>, window_params = [{transform_indices = #map}, {transform_indices = #map}, {transform_indices = #map}]} {
    %mul3A = arith.constant 2 : i32
    %mul3A_0 = arith.muli %arg1, %mul3A : i32
    %add3A = arith.addi %mul3A_0, %arg0 : i32
    %mul3A_1 = arith.constant 64 : i32
    %mul3A_2 = arith.muli %add3A, %mul3A_1 : i32
    %rem3A = arith.constant 2048 : i32
    %rem3A_3 = arith.remsi %mul3A_2, %rem3A : i32
    %add3A_4 = arith.constant 0 : i32
    %add3A_5 = arith.addi %mul3A_2, %add3A_4 : i32
    %mul3A_6 = arith.constant 1024 : i32
    %mul3A_7 = arith.muli %add3A_5, %mul3A_6 : i32
    %add3A_8 = arith.constant 0 : i32
    %add3A_9 = arith.addi %rem3A_3, %add3A_8 : i32
    %mul3A_10 = arith.constant 1024 : i32
    %mul3A_11 = arith.muli %add3A_9, %mul3A_10 : i32
    %dma_start3A = tpu.memref_slice %arg2[%mul3A_7] : memref<2097152xf32, #tpu.memory_space<hbm>> -> memref<16384xf32, #tpu.memory_space<hbm>>
    %dma_start3A_12 = tpu.memref_slice %arg2[%mul3A_7] : memref<2097152xf32, #tpu.memory_space<hbm>> -> memref<16384xf32, #tpu.memory_space<hbm>>
    tpu.enqueue_dma source(%dma_start3A_12 : memref<16384xf32, #tpu.memory_space<hbm>>) target(%arg5 : memref<16384xf32, #tpu.memory_space<vmem>>) target_semaphore(%arg10 : memref<!tpu.dma_semaphore, #tpu.memory_space<semaphore_mem>>)
    %dma_start3A_13 = tpu.memref_slice %arg3[%mul3A_11] : memref<2097152xf32, #tpu.memory_space<hbm>> -> memref<16384xf32, #tpu.memory_space<hbm>>
    %dma_start3A_14 = tpu.memref_slice %arg3[%mul3A_11] : memref<2097152xf32, #tpu.memory_space<hbm>> -> memref<16384xf32, #tpu.memory_space<hbm>>
    tpu.enqueue_dma source(%dma_start3A_14 : memref<16384xf32, #tpu.memory_space<hbm>>) target(%arg8 : memref<16384xf32, #tpu.memory_space<vmem>>) target_semaphore(%arg11 : memref<!tpu.dma_semaphore, #tpu.memory_space<semaphore_mem>>)
    %add3A_15 = arith.constant 16 : i32
    %add3A_16 = arith.addi %mul3A_2, %add3A_15 : i32
    %mul3A_17 = arith.constant 1024 : i32
    %mul3A_18 = arith.muli %add3A_16, %mul3A_17 : i32
    %add3A_19 = arith.constant 16 : i32
    %add3A_20 = arith.addi %rem3A_3, %add3A_19 : i32
    %mul3A_21 = arith.constant 1024 : i32
    %mul3A_22 = arith.muli %add3A_20, %mul3A_21 : i32
    %dma_start3A_23 = tpu.memref_slice %arg2[%mul3A_18] : memref<2097152xf32, #tpu.memory_space<hbm>> -> memref<16384xf32, #tpu.memory_space<hbm>>
    %dma_start3A_24 = tpu.memref_slice %arg2[%mul3A_18] : memref<2097152xf32, #tpu.memory_space<hbm>> -> memref<16384xf32, #tpu.memory_space<hbm>>
    tpu.enqueue_dma source(%dma_start3A_24 : memref<16384xf32, #tpu.memory_space<hbm>>) target(%arg6 : memref<16384xf32, #tpu.memory_space<vmem>>) target_semaphore(%arg10 : memref<!tpu.dma_semaphore, #tpu.memory_space<semaphore_mem>>)
    %dma_start3A_25 = tpu.memref_slice %arg3[%mul3A_22] : memref<2097152xf32, #tpu.memory_space<hbm>> -> memref<16384xf32, #tpu.memory_space<hbm>>
    %dma_start3A_26 = tpu.memref_slice %arg3[%mul3A_22] : memref<2097152xf32, #tpu.memory_space<hbm>> -> memref<16384xf32, #tpu.memory_space<hbm>>
    tpu.enqueue_dma source(%dma_start3A_26 : memref<16384xf32, #tpu.memory_space<hbm>>) target(%arg9 : memref<16384xf32, #tpu.memory_space<vmem>>) target_semaphore(%arg11 : memref<!tpu.dma_semaphore, #tpu.memory_space<semaphore_mem>>)
    %dma_wait3A = tpu.memref_slice %arg2[%mul3A_7] : memref<2097152xf32, #tpu.memory_space<hbm>> -> memref<16384xf32, #tpu.memory_space<hbm>>
    %dma_wait3A_27 = tpu.memref_slice %arg2[%mul3A_7] : memref<2097152xf32, #tpu.memory_space<hbm>> -> memref<16384xf32, #tpu.memory_space<hbm>>
    tpu.wait_dma2 semaphore(%arg10 : memref<!tpu.dma_semaphore, #tpu.memory_space<semaphore_mem>>) src(%dma_wait3A_27 : memref<16384xf32, #tpu.memory_space<hbm>>) dst(%arg5 : memref<16384xf32, #tpu.memory_space<vmem>>)
    %dma_wait3A_28 = tpu.memref_slice %arg3[%mul3A_11] : memref<2097152xf32, #tpu.memory_space<hbm>> -> memref<16384xf32, #tpu.memory_space<hbm>>
    %dma_wait3A_29 = tpu.memref_slice %arg3[%mul3A_11] : memref<2097152xf32, #tpu.memory_space<hbm>> -> memref<16384xf32, #tpu.memory_space<hbm>>
    tpu.wait_dma2 semaphore(%arg11 : memref<!tpu.dma_semaphore, #tpu.memory_space<semaphore_mem>>) src(%dma_wait3A_29 : memref<16384xf32, #tpu.memory_space<hbm>>) dst(%arg8 : memref<16384xf32, #tpu.memory_space<vmem>>)
    %parallel_loop3A = arith.constant 0 : i32
    %parallel_loop3A_30 = arith.constant 16384 : i32
    %parallel_loop3A_31 = arith.constant 16 : i32
    scf.for %parallel_loop3A_107 = %parallel_loop3A to %parallel_loop3A_30 step %parallel_loop3A_31  : i32 {
      %parallel_loop3A_108 = arith.index_cast %parallel_loop3A_107 : i32 to index
      %parallel_loop3A_109 = tpu.vector_load %arg8[%parallel_loop3A_108] {strides = array<i32>} : memref<16384xf32, #tpu.memory_space<vmem>>, vector<16xf32>,
      %parallel_loop3A_110 = vector.shape_cast %parallel_loop3A_109 : vector<16xf32> to vector<16xf32>
      %parallel_loop3A_111 = arith.index_cast %parallel_loop3A_107 : i32 to index
      %parallel_loop3A_112 = tpu.vector_load %arg5[%parallel_loop3A_111] {strides = array<i32>} : memref<16384xf32, #tpu.memory_space<vmem>>, vector<16xf32>,
      %parallel_loop3A_113 = vector.shape_cast %parallel_loop3A_112 : vector<16xf32> to vector<16xf32>
      %parallel_loop3A_114 = vector.shape_cast %parallel_loop3A_110 : vector<16xf32> to vector<16xf32>
      tpu.vector_store %arg5[%parallel_loop3A_111], %parallel_loop3A_114 {add = true, strides = array<i32>} : memref<16384xf32, #tpu.memory_space<vmem>>, vector<16xf32>,
    } {sc.loop_unroll_factor = 8 : i64, sc.parallel_access}
    %add3A_32 = arith.constant 0 : i32
    %add3A_33 = arith.addi %mul3A_2, %add3A_32 : i32
    %mul3A_34 = arith.constant 1024 : i32
    %mul3A_35 = arith.muli %add3A_33, %mul3A_34 : i32
    %dma_start3A_36 = tpu.memref_slice %arg4[%mul3A_35] : memref<2097152xf32, #tpu.memory_space<hbm>> -> memref<16384xf32, #tpu.memory_space<hbm>>
    %dma_start3A_37 = tpu.memref_slice %arg4[%mul3A_35] : memref<2097152xf32, #tpu.memory_space<hbm>> -> memref<16384xf32, #tpu.memory_space<hbm>>
    tpu.enqueue_dma source(%arg5 : memref<16384xf32, #tpu.memory_space<vmem>>) target(%dma_start3A_37 : memref<16384xf32, #tpu.memory_space<hbm>>) target_semaphore(%arg12 : memref<!tpu.dma_semaphore, #tpu.memory_space<semaphore_mem>>)
    %add3A_38 = arith.constant 32 : i32
    %add3A_39 = arith.addi %mul3A_2, %add3A_38 : i32
    %mul3A_40 = arith.constant 1024 : i32
    %mul3A_41 = arith.muli %add3A_39, %mul3A_40 : i32
    %add3A_42 = arith.constant 32 : i32
    %add3A_43 = arith.addi %rem3A_3, %add3A_42 : i32
    %mul3A_44 = arith.constant 1024 : i32
    %mul3A_45 = arith.muli %add3A_43, %mul3A_44 : i32
    %dma_start3A_46 = tpu.memref_slice %arg2[%mul3A_41] : memref<2097152xf32, #tpu.memory_space<hbm>> -> memref<16384xf32, #tpu.memory_space<hbm>>
    %dma_start3A_47 = tpu.memref_slice %arg2[%mul3A_41] : memref<2097152xf32, #tpu.memory_space<hbm>> -> memref<16384xf32, #tpu.memory_space<hbm>>
    tpu.enqueue_dma source(%dma_start3A_47 : memref<16384xf32, #tpu.memory_space<hbm>>) target(%arg7 : memref<16384xf32, #tpu.memory_space<vmem>>) target_semaphore(%arg10 : memref<!tpu.dma_semaphore, #tpu.memory_space<semaphore_mem>>)
    %dma_start3A_48 = tpu.memref_slice %arg3[%mul3A_45] : memref<2097152xf32, #tpu.memory_space<hbm>> -> memref<16384xf32, #tpu.memory_space<hbm>>
    %dma_start3A_49 = tpu.memref_slice %arg3[%mul3A_45] : memref<2097152xf32, #tpu.memory_space<hbm>> -> memref<16384xf32, #tpu.memory_space<hbm>>
    tpu.enqueue_dma source(%dma_start3A_49 : memref<16384xf32, #tpu.memory_space<hbm>>) target(%arg8 : memref<16384xf32, #tpu.memory_space<vmem>>) target_semaphore(%arg11 : memref<!tpu.dma_semaphore, #tpu.memory_space<semaphore_mem>>)
    %dma_wait3A_50 = tpu.memref_slice %arg2[%mul3A_18] : memref<2097152xf32, #tpu.memory_space<hbm>> -> memref<16384xf32, #tpu.memory_space<hbm>>
    %dma_wait3A_51 = tpu.memref_slice %arg2[%mul3A_18] : memref<2097152xf32, #tpu.memory_space<hbm>> -> memref<16384xf32, #tpu.memory_space<hbm>>
    tpu.wait_dma2 semaphore(%arg10 : memref<!tpu.dma_semaphore, #tpu.memory_space<semaphore_mem>>) src(%dma_wait3A_51 : memref<16384xf32, #tpu.memory_space<hbm>>) dst(%arg6 : memref<16384xf32, #tpu.memory_space<vmem>>)
    %dma_wait3A_52 = tpu.memref_slice %arg3[%mul3A_22] : memref<2097152xf32, #tpu.memory_space<hbm>> -> memref<16384xf32, #tpu.memory_space<hbm>>
    %dma_wait3A_53 = tpu.memref_slice %arg3[%mul3A_22] : memref<2097152xf32, #tpu.memory_space<hbm>> -> memref<16384xf32, #tpu.memory_space<hbm>>
    tpu.wait_dma2 semaphore(%arg11 : memref<!tpu.dma_semaphore, #tpu.memory_space<semaphore_mem>>) src(%dma_wait3A_53 : memref<16384xf32, #tpu.memory_space<hbm>>) dst(%arg9 : memref<16384xf32, #tpu.memory_space<vmem>>)
    %parallel_loop3A_54 = arith.constant 0 : i32
    %parallel_loop3A_55 = arith.constant 16384 : i32
    %parallel_loop3A_56 = arith.constant 16 : i32
    scf.for %parallel_loop3A_107 = %parallel_loop3A_54 to %parallel_loop3A_55 step %parallel_loop3A_56  : i32 {
      %parallel_loop3A_108 = arith.index_cast %parallel_loop3A_107 : i32 to index
      %parallel_loop3A_109 = tpu.vector_load %arg9[%parallel_loop3A_108] {strides = array<i32>} : memref<16384xf32, #tpu.memory_space<vmem>>, vector<16xf32>,
      %parallel_loop3A_110 = vector.shape_cast %parallel_loop3A_109 : vector<16xf32> to vector<16xf32>
      %parallel_loop3A_111 = arith.index_cast %parallel_loop3A_107 : i32 to index
      %parallel_loop3A_112 = tpu.vector_load %arg6[%parallel_loop3A_111] {strides = array<i32>} : memref<16384xf32, #tpu.memory_space<vmem>>, vector<16xf32>,
      %parallel_loop3A_113 = vector.shape_cast %parallel_loop3A_112 : vector<16xf32> to vector<16xf32>
      %parallel_loop3A_114 = vector.shape_cast %parallel_loop3A_110 : vector<16xf32> to vector<16xf32>
      tpu.vector_store %arg6[%parallel_loop3A_111], %parallel_loop3A_114 {add = true, strides = array<i32>} : memref<16384xf32, #tpu.memory_space<vmem>>, vector<16xf32>,
    } {sc.loop_unroll_factor = 8 : i64, sc.parallel_access}
    %add3A_57 = arith.constant 16 : i32
    %add3A_58 = arith.addi %mul3A_2, %add3A_57 : i32
    %mul3A_59 = arith.constant 1024 : i32
    %mul3A_60 = arith.muli %add3A_58, %mul3A_59 : i32
    %dma_start3A_61 = tpu.memref_slice %arg4[%mul3A_60] : memref<2097152xf32, #tpu.memory_space<hbm>> -> memref<16384xf32, #tpu.memory_space<hbm>>
    %dma_start3A_62 = tpu.memref_slice %arg4[%mul3A_60] : memref<2097152xf32, #tpu.memory_space<hbm>> -> memref<16384xf32, #tpu.memory_space<hbm>>
    tpu.enqueue_dma source(%arg6 : memref<16384xf32, #tpu.memory_space<vmem>>) target(%dma_start3A_62 : memref<16384xf32, #tpu.memory_space<hbm>>) target_semaphore(%arg12 : memref<!tpu.dma_semaphore, #tpu.memory_space<semaphore_mem>>)
    %dma_wait3A_63 = tpu.memref_slice %arg4[%mul3A_35] : memref<2097152xf32, #tpu.memory_space<hbm>> -> memref<16384xf32, #tpu.memory_space<hbm>>
    %dma_wait3A_64 = tpu.memref_slice %arg4[%mul3A_35] : memref<2097152xf32, #tpu.memory_space<hbm>> -> memref<16384xf32, #tpu.memory_space<hbm>>
    tpu.wait_dma2 semaphore(%arg12 : memref<!tpu.dma_semaphore, #tpu.memory_space<semaphore_mem>>) src(%arg5 : memref<16384xf32, #tpu.memory_space<vmem>>) dst(%dma_wait3A_64 : memref<16384xf32, #tpu.memory_space<hbm>>)
    %add3A_65 = arith.constant 48 : i32
    %add3A_66 = arith.addi %mul3A_2, %add3A_65 : i32
    %mul3A_67 = arith.constant 1024 : i32
    %mul3A_68 = arith.muli %add3A_66, %mul3A_67 : i32
    %add3A_69 = arith.constant 48 : i32
    %add3A_70 = arith.addi %rem3A_3, %add3A_69 : i32
    %mul3A_71 = arith.constant 1024 : i32
    %mul3A_72 = arith.muli %add3A_70, %mul3A_71 : i32
    %dma_start3A_73 = tpu.memref_slice %arg2[%mul3A_68] : memref<2097152xf32, #tpu.memory_space<hbm>> -> memref<16384xf32, #tpu.memory_space<hbm>>
    %dma_start3A_74 = tpu.memref_slice %arg2[%mul3A_68] : memref<2097152xf32, #tpu.memory_space<hbm>> -> memref<16384xf32, #tpu.memory_space<hbm>>
    tpu.enqueue_dma source(%dma_start3A_74 : memref<16384xf32, #tpu.memory_space<hbm>>) target(%arg5 : memref<16384xf32, #tpu.memory_space<vmem>>) target_semaphore(%arg10 : memref<!tpu.dma_semaphore, #tpu.memory_space<semaphore_mem>>)
    %dma_start3A_75 = tpu.memref_slice %arg3[%mul3A_72] : memref<2097152xf32, #tpu.memory_space<hbm>> -> memref<16384xf32, #tpu.memory_space<hbm>>
    %dma_start3A_76 = tpu.memref_slice %arg3[%mul3A_72] : memref<2097152xf32, #tpu.memory_space<hbm>> -> memref<16384xf32, #tpu.memory_space<hbm>>
    tpu.enqueue_dma source(%dma_start3A_76 : memref<16384xf32, #tpu.memory_space<hbm>>) target(%arg9 : memref<16384xf32, #tpu.memory_space<vmem>>) target_semaphore(%arg11 : memref<!tpu.dma_semaphore, #tpu.memory_space<semaphore_mem>>)
    %dma_wait3A_77 = tpu.memref_slice %arg2[%mul3A_41] : memref<2097152xf32, #tpu.memory_space<hbm>> -> memref<16384xf32, #tpu.memory_space<hbm>>
    %dma_wait3A_78 = tpu.memref_slice %arg2[%mul3A_41] : memref<2097152xf32, #tpu.memory_space<hbm>> -> memref<16384xf32, #tpu.memory_space<hbm>>
    tpu.wait_dma2 semaphore(%arg10 : memref<!tpu.dma_semaphore, #tpu.memory_space<semaphore_mem>>) src(%dma_wait3A_78 : memref<16384xf32, #tpu.memory_space<hbm>>) dst(%arg7 : memref<16384xf32, #tpu.memory_space<vmem>>)
    %dma_wait3A_79 = tpu.memref_slice %arg3[%mul3A_45] : memref<2097152xf32, #tpu.memory_space<hbm>> -> memref<16384xf32, #tpu.memory_space<hbm>>
    %dma_wait3A_80 = tpu.memref_slice %arg3[%mul3A_45] : memref<2097152xf32, #tpu.memory_space<hbm>> -> memref<16384xf32, #tpu.memory_space<hbm>>
    tpu.wait_dma2 semaphore(%arg11 : memref<!tpu.dma_semaphore, #tpu.memory_space<semaphore_mem>>) src(%dma_wait3A_80 : memref<16384xf32, #tpu.memory_space<hbm>>) dst(%arg8 : memref<16384xf32, #tpu.memory_space<vmem>>)
    %parallel_loop3A_81 = arith.constant 0 : i32
    %parallel_loop3A_82 = arith.constant 16384 : i32
    %parallel_loop3A_83 = arith.constant 16 : i32
    scf.for %parallel_loop3A_107 = %parallel_loop3A_81 to %parallel_loop3A_82 step %parallel_loop3A_83  : i32 {
      %parallel_loop3A_108 = arith.index_cast %parallel_loop3A_107 : i32 to index
      %parallel_loop3A_109 = tpu.vector_load %arg8[%parallel_loop3A_108] {strides = array<i32>} : memref<16384xf32, #tpu.memory_space<vmem>>, vector<16xf32>,
      %parallel_loop3A_110 = vector.shape_cast %parallel_loop3A_109 : vector<16xf32> to vector<16xf32>
      %parallel_loop3A_111 = arith.index_cast %parallel_loop3A_107 : i32 to index
      %parallel_loop3A_112 = tpu.vector_load %arg7[%parallel_loop3A_111] {strides = array<i32>} : memref<16384xf32, #tpu.memory_space<vmem>>, vector<16xf32>,
      %parallel_loop3A_113 = vector.shape_cast %parallel_loop3A_112 : vector<16xf32> to vector<16xf32>
      %parallel_loop3A_114 = vector.shape_cast %parallel_loop3A_110 : vector<16xf32> to vector<16xf32>
      tpu.vector_store %arg7[%parallel_loop3A_111], %parallel_loop3A_114 {add = true, strides = array<i32>} : memref<16384xf32, #tpu.memory_space<vmem>>, vector<16xf32>,
    } {sc.loop_unroll_factor = 8 : i64, sc.parallel_access}
    %add3A_84 = arith.constant 32 : i32
    %add3A_85 = arith.addi %mul3A_2, %add3A_84 : i32
    %mul3A_86 = arith.constant 1024 : i32
    %mul3A_87 = arith.muli %add3A_85, %mul3A_86 : i32
    %dma_start3A_88 = tpu.memref_slice %arg4[%mul3A_87] : memref<2097152xf32, #tpu.memory_space<hbm>> -> memref<16384xf32, #tpu.memory_space<hbm>>
    %dma_start3A_89 = tpu.memref_slice %arg4[%mul3A_87] : memref<2097152xf32, #tpu.memory_space<hbm>> -> memref<16384xf32, #tpu.memory_space<hbm>>
    tpu.enqueue_dma source(%arg7 : memref<16384xf32, #tpu.memory_space<vmem>>) target(%dma_start3A_89 : memref<16384xf32, #tpu.memory_space<hbm>>) target_semaphore(%arg12 : memref<!tpu.dma_semaphore, #tpu.memory_space<semaphore_mem>>)
    %dma_wait3A_90 = tpu.memref_slice %arg2[%mul3A_68] : memref<2097152xf32, #tpu.memory_space<hbm>> -> memref<16384xf32, #tpu.memory_space<hbm>>
    %dma_wait3A_91 = tpu.memref_slice %arg2[%mul3A_68] : memref<2097152xf32, #tpu.memory_space<hbm>> -> memref<16384xf32, #tpu.memory_space<hbm>>
    tpu.wait_dma2 semaphore(%arg10 : memref<!tpu.dma_semaphore, #tpu.memory_space<semaphore_mem>>) src(%dma_wait3A_91 : memref<16384xf32, #tpu.memory_space<hbm>>) dst(%arg5 : memref<16384xf32, #tpu.memory_space<vmem>>)
    %dma_wait3A_92 = tpu.memref_slice %arg3[%mul3A_72] : memref<2097152xf32, #tpu.memory_space<hbm>> -> memref<16384xf32, #tpu.memory_space<hbm>>
    %dma_wait3A_93 = tpu.memref_slice %arg3[%mul3A_72] : memref<2097152xf32, #tpu.memory_space<hbm>> -> memref<16384xf32, #tpu.memory_space<hbm>>
    tpu.wait_dma2 semaphore(%arg11 : memref<!tpu.dma_semaphore, #tpu.memory_space<semaphore_mem>>) src(%dma_wait3A_93 : memref<16384xf32, #tpu.memory_space<hbm>>) dst(%arg9 : memref<16384xf32, #tpu.memory_space<vmem>>)
    %parallel_loop3A_94 = arith.constant 0 : i32
    %parallel_loop3A_95 = arith.constant 16384 : i32
    %parallel_loop3A_96 = arith.constant 16 : i32
    scf.for %parallel_loop3A_107 = %parallel_loop3A_94 to %parallel_loop3A_95 step %parallel_loop3A_96  : i32 {
      %parallel_loop3A_108 = arith.index_cast %parallel_loop3A_107 : i32 to index
      %parallel_loop3A_109 = tpu.vector_load %arg9[%parallel_loop3A_108] {strides = array<i32>} : memref<16384xf32, #tpu.memory_space<vmem>>, vector<16xf32>,
      %parallel_loop3A_110 = vector.shape_cast %parallel_loop3A_109 : vector<16xf32> to vector<16xf32>
      %parallel_loop3A_111 = arith.index_cast %parallel_loop3A_107 : i32 to index
      %parallel_loop3A_112 = tpu.vector_load %arg5[%parallel_loop3A_111] {strides = array<i32>} : memref<16384xf32, #tpu.memory_space<vmem>>, vector<16xf32>,
      %parallel_loop3A_113 = vector.shape_cast %parallel_loop3A_112 : vector<16xf32> to vector<16xf32>
      %parallel_loop3A_114 = vector.shape_cast %parallel_loop3A_110 : vector<16xf32> to vector<16xf32>
      tpu.vector_store %arg5[%parallel_loop3A_111], %parallel_loop3A_114 {add = true, strides = array<i32>} : memref<16384xf32, #tpu.memory_space<vmem>>, vector<16xf32>,
    } {sc.loop_unroll_factor = 8 : i64, sc.parallel_access}
    %add3A_97 = arith.constant 48 : i32
    %add3A_98 = arith.addi %mul3A_2, %add3A_97 : i32
    %mul3A_99 = arith.constant 1024 : i32
    %mul3A_100 = arith.muli %add3A_98, %mul3A_99 : i32
    %dma_start3A_101 = tpu.memref_slice %arg4[%mul3A_100] : memref<2097152xf32, #tpu.memory_space<hbm>> -> memref<16384xf32, #tpu.memory_space<hbm>>
    %dma_start3A_102 = tpu.memref_slice %arg4[%mul3A_100] : memref<2097152xf32, #tpu.memory_space<hbm>> -> memref<16384xf32, #tpu.memory_space<hbm>>
    tpu.enqueue_dma source(%arg5 : memref<16384xf32, #tpu.memory_space<vmem>>) target(%dma_start3A_102 : memref<16384xf32, #tpu.memory_space<hbm>>) target_semaphore(%arg12 : memref<!tpu.dma_semaphore, #tpu.memory_space<semaphore_mem>>)
    %dma_wait3A_103 = tpu.memref_slice %arg4[%mul3A_87] : memref<2097152xf32, #tpu.memory_space<hbm>> -> memref<16384xf32, #tpu.memory_space<hbm>>
    %dma_wait3A_104 = tpu.memref_slice %arg4[%mul3A_87] : memref<2097152xf32, #tpu.memory_space<hbm>> -> memref<16384xf32, #tpu.memory_space<hbm>>
    tpu.wait_dma2 semaphore(%arg12 : memref<!tpu.dma_semaphore, #tpu.memory_space<semaphore_mem>>) src(%arg7 : memref<16384xf32, #tpu.memory_space<vmem>>) dst(%dma_wait3A_104 : memref<16384xf32, #tpu.memory_space<hbm>>)
    %dma_wait3A_105 = tpu.memref_slice %arg4[%mul3A_100] : memref<2097152xf32, #tpu.memory_space<hbm>> -> memref<16384xf32, #tpu.memory_space<hbm>>
    %dma_wait3A_106 = tpu.memref_slice %arg4[%mul3A_100] : memref<2097152xf32, #tpu.memory_space<hbm>> -> memref<16384xf32, #tpu.memory_space<hbm>>
    tpu.wait_dma2 semaphore(%arg12 : memref<!tpu.dma_semaphore, #tpu.memory_space<semaphore_mem>>) src(%arg5 : memref<16384xf32, #tpu.memory_space<vmem>>) dst(%dma_wait3A_106 : memref<16384xf32, #tpu.memory_space<hbm>>)
    return
  }
}

</mosaic_0001>

<sc_bundles>
// kernel: kernel.3.cloned.1.call-start
scs
__scs_entry_jumppad:
0x0: {  	(pc) =	sbr.rel $0x88, $3  }
0x1: {  	(tag) =	ssettag $0x0;
	lr =	simm.s32 $0x1  }
0x2: {  	[smem:$0x3F9F] =	sst lr;
	_ =	strace $0xD0000000  }
0x3: {  	_ = 	snop  }
0x4: {  	_ = 	snop  }
0x5: {  	_ = 	snop  }
0x6: {  	_ = 	snop  }
0x7: {  	_ = 	snop  }
__scs_overlays_trampoline_lowered:
0x8: {  	[smem:$0x3FAE] =	sst s0  }
0x9: {  	[smem:$0x3FAF] =	sst s1  }
0xa: {  	[smem:$0x3FB0] =	sst s2  }
0xb: {  	[smem:$0x3FB1] =	sst s3  }
0xc: {  	[smem:$0x3FB2] =	sst s4  }
0xd: {  	[smem:$0x3FB3] =	sst s5  }
0xe: {  	[smem:$0x3FB4] =	sst s6  }
0xf: {  	[smem:$0x3FB5] =	sst s7  }
0x10: {  	[smem:$0x3FB6] =	sst s8  }
0x11: {  	[smem:$0x3FB7] =	sst s9;
	s0 =	simm.s32 @!p0 $0x0  }
0x12: {  	s1 =	sld [smem:$0x3F9D];
	s0 =	simm.s32 @p0 $0x1  }
0x13: {  	[smem:$0x3FB8] =	sst s0;
	s0 =	simm.s32 @!p1 $0x0  }
0x14: {  	s2 =	sld [smem:$0x3F9C];
	s0 =	simm.s32 @p1 $0x1  }
0x15: {  	[smem:$0x3FB9] =	sst s0;
	s0 =	simm.s32 @!p2 $0x0  }
0x16: {  	s3 =	sld [smem:$0x3FDB];
	s0 =	simm.s32 @p2 $0x1  }
0x17: {  	s4 =	simm.s32 $0x1BF5;
	[smem:$0x3FBB] =	sst s0  }
0x18: {  	s0 =	sld [smem:$0x3F9E];
	_ =	swait.ge [sflag:s4], $0x0  }
0x19: {  	s7 =	sld [smem:$0x3F9F]  }
0x1a: {  	s8 =	sadd.s32 $0xFFFFE003, lr  }
0x1b: {  	s9 =	sadd.s32 $0xFFFFFEF7, lr;
	s5 =	simm.s32 $0xFFFFFFFF;
	p2 =	slt.u32 s8, $0xFFFFF086  }
0x1c: {  	p1 =	slt.u32 s9, $0xF7A;
	s5 =	simm.s32 @!p2 $0x0  }
0x1d: {  	s5 =	simm.s32 @p1 $0x1;
	p0 =	seq.s32 s7, s2  }
0x1e: {  	s7 =	smul.u32 @!p0 $0xF7A, s2;
	p2 =	seq.s32 @!p0 s5, $0x0  }
0x1f: {  	s9 =	smul.u32 $0xF7A, s1;
	s8 =	simm.s32 @!p0 $0x1BF5;
	p2 =	por !p2, p0  }
0x20: {  	[sflag:s8] =	ssyncset.s32 @!p0 $0xFFFFF086;
	s6 =	sadd.s32 @!p0 s3, s7;
	s7 =	simm.s32 @!p0 $0x108  }
0x21: {  	s3 =	sadd.s32 s3, s9;
	s6 =	sadd.s32 @!p0 $0x88, s6;
	s7 =	simm.s32 @p2 $0x1082  }
0x22: {  	[simem:s7], [sflag:s8] =	dma.local @!p0 [hbm:s6], $0xF7A  }
0x23: {  	s9 =	sor.u32 $0xD0000000, s2;
	s6 =	simm.s32 $0x108;
	_ =	swait.ge @!p0 [sflag:s8], $0x0  }
0x24: {  	s3 =	sadd.s32 $0x88, s3;
	s6 =	simm.s32 @!p1 $0x1082;
	[sflag:s4] =	ssyncset.s32 $0xFFFFF086  }
0x25: {  	[simem:s6], [sflag:s4] =	dma.local [hbm:s3], $0xF7A  }
0x26: {  	[smem:$0x3F9F] =	sst s1;
	(tag) =	ssettag s2;
	_ =	strace s9  }
0x27: {  	s1 =	sld [smem:$0x3FAF]  }
0x28: {  	s2 =	sld [smem:$0x3FB0]  }
0x29: {  	s4 =	sld [smem:$0x3FB2]  }
0x2a: {  	p0 =	seq.s32 s5, $0x0;
	s5 =	sld [smem:$0x3FB3]  }
0x2b: {  	s6 =	sld [smem:$0x3FB4]  }
0x2c: {  	s7 =	sld [smem:$0x3FB5]  }
0x2d: {  	s3 =	simm.s32 $0x108;
	s8 =	sld [smem:$0x3FB6]  }
0x2e: {  	s3 =	simm.s32 @!p0 $0x1082;
	s9 =	sld [smem:$0x3FB7]  }
0x2f: {  	lr =	sadd.s32 s0, s3;
	s0 =	sld [smem:$0x3FAE]  }
0x30: {  	s3 =	sld [smem:$0x3FB1]  }
0x31: {  	[smem:$0x3FBA] =	sst s10  }
0x32: {  	s10 =	sld [smem:$0x3FB8];
	_ =	sdelay $0x3  }
0x33: {  	p0 =	seq.s32 s10, $0x1;
	s10 =	sld [smem:$0x3FBA];
	_ =	sdelay $0x3  }
0x34: {  	[smem:$0x3FBA] =	sst s10  }
0x35: {  	s10 =	sld [smem:$0x3FB9];
	_ =	sdelay $0x3  }
0x36: {  	p1 =	seq.s32 s10, $0x1;
	s10 =	sld [smem:$0x3FBA];
	_ =	sdelay $0x3  }
0x37: {  	[smem:$0x3FBA] =	sst s10  }
0x38: {  	s10 =	sld [smem:$0x3FBB]  }
0x39: {  	_ = 	snop;
	(pc) =	sbr.ind lr, $3  }
0x3a: {  	_ = 	snop  }
0x3b: {  	_ = 	snop  }
0x3c: {  	p2 =	seq.s32 s10, $0x1;
	s10 =	sld [smem:$0x3FBA]  }
0x3d: {  	_ =	shalt  }
0x3e: {  	_ =	shalt  }
0x3f: {  	_ =	shalt  }
0x40: {  	_ =	shalt  }
0x41: {  	_ =	shalt  }
0x42: {  	_ =	shalt  }
0x43: {  	_ =	shalt  }
0x44: {  	_ =	shalt  }
0x45: {  	_ =	shalt  }
0x46: {  	_ =	shalt  }
0x47: {  	_ =	shalt  }
0x48: {  	_ =	shalt  }
0x49: {  	_ =	shalt  }
0x4a: {  	_ =	shalt  }
0x4b: {  	_ =	shalt  }
0x4c: {  	_ =	shalt  }
0x4d: {  	_ =	shalt  }
0x4e: {  	_ =	shalt  }
0x4f: {  	_ =	shalt  }
0x50: {  	_ =	shalt  }
0x51: {  	_ =	shalt  }
0x52: {  	_ =	shalt  }
0x53: {  	_ =	shalt  }
0x54: {  	_ =	shalt  }
0x55: {  	_ =	shalt  }
0x56: {  	_ =	shalt  }
0x57: {  	_ =	shalt  }
0x58: {  	_ =	shalt  }
0x59: {  	_ =	shalt  }
0x5a: {  	_ =	shalt  }
0x5b: {  	_ =	shalt  }
0x5c: {  	_ =	shalt  }
0x5d: {  	_ =	shalt  }
0x5e: {  	_ =	shalt  }
0x5f: {  	_ =	shalt  }
0x60: {  	_ =	shalt  }
0x61: {  	_ =	shalt  }
0x62: {  	_ =	shalt  }
0x63: {  	_ =	shalt  }
0x64: {  	_ =	shalt  }
0x65: {  	_ =	shalt  }
0x66: {  	_ =	shalt  }
0x67: {  	_ =	shalt  }
0x68: {  	_ =	shalt  }
0x69: {  	_ =	shalt  }
0x6a: {  	_ =	shalt  }
0x6b: {  	_ =	shalt  }
0x6c: {  	_ =	shalt  }
0x6d: {  	_ =	shalt  }
0x6e: {  	_ =	shalt  }
0x6f: {  	_ =	shalt  }
0x70: {  	_ =	shalt  }
0x71: {  	_ =	shalt  }
0x72: {  	_ =	shalt  }
0x73: {  	_ =	shalt  }
0x74: {  	_ =	shalt  }
0x75: {  	_ =	shalt  }
0x76: {  	_ =	shalt  }
0x77: {  	_ =	shalt  }
0x78: {  	_ =	shalt  }
0x79: {  	_ =	shalt  }
0x7a: {  	_ =	shalt  }
0x7b: {  	_ =	shalt  }
0x7c: {  	_ =	shalt  }
0x7d: {  	_ =	shalt  }
0x7e: {  	_ =	shalt  }
0x7f: {  	_ =	shalt  }
0x80: {  	_ =	shalt  }
0x81: {  	_ =	shalt  }
0x82: {  	_ =	shalt  }
0x83: {  	_ =	shalt  }
0x84: {  	_ =	shalt  }
0x85: {  	_ =	shalt  }
0x86: {  	_ =	shalt  }
0x87: {  	_ =	shalt  }
.Lfunc_end0:
.L_simem_size_0:
called_computation_lowered:
.L_overlay_start_0:
0x88: {  	s2 =	sld [smem:$0x3FD9]  }
0x89: {  	s3 =	sld [smem:$0x3FFE];
	_ =	sdelay $0x1  }
0x8a: {  	s1 =	srdreg.scid  }
0x8b: {  	s0 =	sand.u32 $0x1, s1  }
0x8c: {  	s17 =	sshll.u32 s0, $0xA;
	s2 =	sadd.s32 s3, s2  }
0x8d: {  	s2 =	sadd.s32 s2, s17  }
0x8e: {  	[smem:$0x3FC6] =	sst s2  }
0x8f: {  	_ = 	snop  }
0x90: {  	s2 =	sld [smem:$0x3FD0];
	(tm) =	ssettm $0x1  }
0x91: {  	s18 =	sld [smem:$0x3FFB];
	_ =	sdelay $0x3  }
0x92: {  	_ =	strace s18  }
0x93: {  	s3 =	sld [smem:$0x3FFC];
	_ =	sdelay $0x3  }
0x94: {  	_ =	strace s3  }
0x95: {  	s3 =	sld [smem:$0x3FFD];
	_ =	sdelay $0x3  }
0x96: {  	_ =	strace s3  }
0x97: {  	_ =	strace $0x8FFFFFFF  }
0x98: {  	s19 =	sld [smem:$0x3FDB];
	_ =	sdelay $0x1  }
0x99: {  	s4 =	simm.s32 $_scs_section_size  }
0x9a: {  	s5 =	simm.s32 $_size__tile_overlayer_lowered;
	s6 =	simm.s32 $_tile_overlayer_lowered  }
0x9b: {  	s22 =	simm.s32 $0x1BFF;
	s21 =	sshll.u32 s6, $0x1;
	s3 =	sadd.s32 s4, s19  }
0x9c: {  	s7 =	simm.s32 $0x0;
	s20 =	sshll.u32 s5, $0x1;
	s5 =	sadd.s32 s21, s3  }
0x9d: {  	[timem:s7], [sflag:s22] =	dma.local [hbm:s5], s20  }
0x9e: {  	_ =	swait.ge [sflag:s22], s20  }
0x9f: {  	s4 =	ssub.s32 $0x0, s20;
	[sflag:s22] =	ssyncset.done $0x0  }
0xa0: {  	[sflag:s22] =	ssyncadd.s32 s4;
	_ =	sdelay $0x1  }
0xa1: {  	s23 =	simm.s32 $0x1B8B  }
0xa2: {  	_ =	swait.ge [sflag:s23], $0x1  }
0xa3: {  	[sflag:s23] =	ssyncset.done $0x0  }
0xa4: {  	s25 =	simm.s32 $0x1B8E;
	s24 =	sld [smem:$0x3FFE];
	[sflag:s23] =	ssyncadd.s32 $0xFFFFFFFF  }
0xa5: {  	s26 =	simm.s32 $execute0_lowered;
	[smem:$0x3FD2] =	sst s25  }
0xa6: {  	s5 =	sshll.u32 s26, $0x1;
	_ =	strace $0x80000046;
	[dreg:$0x1] =	wrdreg $0xFFFFFFFF  }
0xa7: {  	s28 =	simm.s32 $_size_execute0_lowered;
	s3 =	sadd.s32 s3, s5;
	[dreg:$0x0] =	wrdreg $0x0  }
0xa8: {  	s5 =	sshll.u32 s28, $0x1;
	[dreg:$0x2] =	wrdreg s3  }
0xa9: {  	[dreg:$0x3] =	wrdreg s5  }
0xaa: {  	[dreg:$0x4] =	wrdreg $0xC0  }
0xab: {  	_ =	task [dreg:s7], $0x5FFFF  }
0xac: {  	[dreg:$0x1] =	wrdreg $0xFFFFFFFF  }
0xad: {  	[dreg:$0x0] =	wrdreg $0x60  }
0xae: {  	[dreg:$0x2] =	wrdreg s24  }
0xaf: {  	[dreg:$0x3] =	wrdreg s2  }
0xb0: {  	[dreg:$0x4] =	wrdreg $0x9  }
0xb1: {  	_ =	task.clear_ibuf [dreg:s7], $0x5FFFF;
	_ =	strace $0x90000046  }
0xb2: {  	s29 =	simm.s32 $0x9;
	_ =	strace $0x80000048  }
0xb3: {  	_ =	swait.ge [sflag:s29], $0x1  }
0xb4: {  	[sflag:s29] =	ssyncadd.s32 $0xFFFFFFFF  }
0xb5: {  	_ =	strace $0x90000048  }
0xb6: {  	_ =	sfence  }
0xb7: {  	s30 =	sld [smem:$0x0];
	_ =	sdelay $0x2  }
0xb8: {  	s31 =	sshll.u32 s1, $0xD;
	s1 =	sshrl.u32 s1, $0x2  }
0xb9: {  	s3 =	sand.u32 $0x4000, s31;
	s1 =	sadd.s32 s1, s30  }
0xba: {  	s0 =	sor.u32 s3, s0;
	s1 =	sshll.u32 s1, $0x11  }
0xbb: {  	s0 =	sor.u32 s1, s0  }
0xbc: {  	s0 =	sadd.s32 $0x8F2B, s0  }
0xbd: {  	[sflag:s0] =	ssyncadd.remote.s32 $0x1  }
0xbe: {  	_ =	sfence.sel $0xFFFF  }
0xbf: {  	[dreg:$0x0] =	wrdreg $0xFFFFFFFF;
	(pc) =	sbr.abs _section_cstart, $3  }
0xc0: {  	[dreg:$0x1] =	wrdreg $0xFFFFFFFF  }
0xc1: {  	_ =	task.clear_ibuf [dreg:s7], $0x2FFFF;
	_ =	strace $0x9FFFFFFF  }
0xc2: {  	(tm) =	ssettm $0x7FFFFFFF  }
0xc3: {  	_ =	shalt  }
tec
execute0_lowered:
.L_overlay_start_1:
0x0: {  	(tag) =	ssettag $0x1  }
0x1: {  	s3 =	rddreg [dreg:$0x0]  }
0x2: {  	s14 =	rddreg [dreg:$0x1]  }
0x3: {  	s0 =	rddreg [dreg:$0x2];
	s2 =	simm.s32 $0x0;
	s4 =	srdreg.scid  }
0x4: {  	s1 =	stileid.u32;
	s17 =	simm.s32 $0x4000;
	s18 =	simm.s32 $0x10000  }
0x5: {  	s19 =	simm.s32 $0x1;
	s20 =	simm.s32 $0x2;
	s21 =	simm.s32 $0x8000  }
0x6: {  	s22 =	simm.s32 $0x3;
	s23 =	simm.s32 $0x0;
	s4 =	sand.u32 $0x1, s4  }
0x7: {  	[smem:$0x7FF] =	sst s2;
	s5 =	sshll.u32 s1, $0xE;
	s6 =	sshll.u32 s4, $0xD  }
0x8: {  	s11 =	sadd.s32 $0xC00, s3;
	s4 =	ssub.s32 $0x2, s4;
	s9 =	sor.u32 s6, s5  }
0x9: {  	_ =	strace $0x80000047;
	s31 =	sshrl.u32 s4, $0x1;
	s12 =	sadd.s32 s9, s3  }
0xa: {  	s15 =	ssub.s32 s4, s31;
	s3 =	sadd.s32 s11, s9;
	s10 =	sor.u32 $0x800, s9  }
0xb: {  	s13 =	sor.u32 $0x1000, s9;
	s7 =	sadd.s32 s14, s9;
	s16 =	sor.u32 $0x1800, s9  }
0xc: {  	s4 =	sadd.s32 $0x40C00, s12;
	s5 =	sadd.s32 s11, s10;
	s6 =	sadd.s32 $0x41400, s12  }
0xd: {  	s8 =	sadd.s32 s11, s13;
	s9 =	sadd.s32 $0x41C00, s12;
	s10 =	sadd.s32 s14, s10  }
0xe: {  	s11 =	sadd.s32 s11, s16;
	s12 =	sadd.s32 $0x42400, s12;
	s13 =	sadd.s32 s14, s13  }
0xf: {  	s14 =	sadd.s32 s14, s16;
	s15 =	smax.u32 s15, $0x1;
	s16 =	simm.s32 $0xC000  }
.LBB2_1:
0x10: {  	[tilespmem:s2], [sflag:$0x1] =	stream.linear.gather [hbm4b:s3+s2], $0x4000, $0x38;
	[tilespmem:$0x14000] =	vst v63  }
0x11: {  	_ = 	snop  }
0x12: {  	[tilespmem:s16], [sflag:$0x2] =	stream.linear.gather [hbm4b:s4+s2], $0x4000, $0x38;
	[tilespmem:$0x14000] =	vst v63  }
0x13: {  	_ = 	snop  }
0x14: {  	[tilespmem:s17], [sflag:$0x1] =	stream.linear.gather [hbm4b:s5+s2], $0x4000, $0x38;
	[tilespmem:$0x14000] =	vst v63  }
0x15: {  	_ = 	snop  }
0x16: {  	[tilespmem:s18], [sflag:$0x2] =	stream.linear.gather [hbm4b:s6+s2], $0x4000, $0x38;
	[tilespmem:$0x14000] =	vst v63  }
0x17: {  	_ =	swait.ge [sflag:s19], $0x4000  }
0x18: {  	[sflag:s19] =	ssyncset.done $0x0  }
0x19: {  	[sflag:s19] =	ssyncadd.s32 $0xFFFFC000  }
0x1a: {  	_ =	swait.ge [sflag:s20], $0x4000  }
0x1b: {  	[sflag:s20] =	ssyncset.done $0x0  }
0x1c: {  	s24 =	simm.s32 $0x0;
	[sflag:s20] =	ssyncadd.s32 $0xFFFFC000  }
0x1d: {  	v0 =	vld [tilespmem:s24+$0xC070]  }
0x1e: {  	v1 =	vld [tilespmem:s24+$0xC000]  }
0x1f: {  	v2 =	vld [tilespmem:s24+$0xC010]  }
0x20: {  	v3 =	vld [tilespmem:s24+$0xC020]  }
0x21: {  	v4 =	vld [tilespmem:s24+$0xC030]  }
0x22: {  	v5 =	vld [tilespmem:s24+$0xC040]  }
0x23: {  	v6 =	vld [tilespmem:s24+$0xC050]  }
0x24: {  	[tilespmem:s24+$0x70] =	vst.add.f32.msk $0xffff, v0  }
0x25: {  	v0 =	vld [tilespmem:s24+$0xC060]  }
0x26: {  	[tilespmem:s24+$0x0] =	vst.add.f32.msk $0xffff, v1  }
0x27: {  	[tilespmem:s24+$0x10] =	vst.add.f32.msk $0xffff, v2  }
0x28: {  	[tilespmem:s24+$0x20] =	vst.add.f32.msk $0xffff, v3  }
0x29: {  	[tilespmem:s24+$0x30] =	vst.add.f32.msk $0xffff, v4  }
0x2a: {  	[tilespmem:s24+$0x40] =	vst.add.f32.msk $0xffff, v5  }
0x2b: {  	s25 =	simm.s32 $0x0;
	s26 =	simm.s32 $0x200;
	[tilespmem:s24+$0x50] =	vst.add.f32.msk $0xffff, v6  }
.LBB2_2:
0x2c: {  	s25 =	sadd.s32 $0x80, s25;
	[tilespmem:s24+$0x60] =	vst.add.f32.msk $0xffff, v0;
	s24 =	sshra.s32 s26, $0x2  }
0x2d: {  	v0 =	vld [tilespmem:s24+$0xC070];
	p0 =	slt.u32 s25, $0x3F80  }
0x2e: {  	v1 =	vld [tilespmem:s24+$0xC000]  }
0x2f: {  	v2 =	vld [tilespmem:s24+$0xC010]  }
0x30: {  	v3 =	vld [tilespmem:s24+$0xC020]  }
0x31: {  	v4 =	vld [tilespmem:s24+$0xC030]  }
0x32: {  	[tilespmem:s24+$0x70] =	vst.add.f32.msk $0xffff, v0  }
0x33: {  	v5 =	vld [tilespmem:s24+$0xC040]  }
0x34: {  	v6 =	vld [tilespmem:s24+$0xC050]  }
0x35: {  	v0 =	vld [tilespmem:s24+$0xC060]  }
0x36: {  	[tilespmem:s24+$0x0] =	vst.add.f32.msk $0xffff, v1  }
.Ltmp0:
0x37: {  	[tilespmem:s24+$0x10] =	vst.add.f32.msk $0xffff, v2;
	(pc) =	sbr.rel @p0 .LBB2_2-.Ltmp0, $4  }
0x38: {  	[tilespmem:s24+$0x20] =	vst.add.f32.msk $0xffff, v3  }
0x39: {  	[tilespmem:s24+$0x30] =	vst.add.f32.msk $0xffff, v4  }
0x3a: {  	[tilespmem:s24+$0x40] =	vst.add.f32.msk $0xffff, v5  }
0x3b: {  	s26 =	sadd.s32 $0x200, s26;
	[tilespmem:s24+$0x50] =	vst.add.f32.msk $0xffff, v6  }
0x3c: {  	[tilespmem:s24+$0x60] =	vst.add.f32.msk $0xffff, v0;
	s31 =	simm.s32 $0x0  }
0x3d: {  	[hbm4b:s7+s31] =	stream.linear.scatter [tilespmem:s31], [sflag:$0x3], $0x4000, $0x38;
	[tilespmem:$0x14000] =	vst v63  }
0x3e: {  	_ = 	snop  }
0x3f: {  	[tilespmem:s21], [sflag:$0x1] =	stream.linear.gather [hbm4b:s8+s31], $0x4000, $0x38;
	[tilespmem:$0x14000] =	vst v63  }
0x40: {  	_ = 	snop  }
0x41: {  	[tilespmem:s16], [sflag:$0x2] =	stream.linear.gather [hbm4b:s9+s31], $0x4000, $0x38;
	[tilespmem:$0x14000] =	vst v63  }
0x42: {  	_ =	swait.ge [sflag:s19], $0x4000  }
0x43: {  	[sflag:s19] =	ssyncset.done $0x0  }
0x44: {  	[sflag:s19] =	ssyncadd.s32 $0xFFFFC000  }
0x45: {  	_ =	swait.ge [sflag:s20], $0x4000  }
0x46: {  	[sflag:s20] =	ssyncset.done $0x0  }
0x47: {  	s24 =	simm.s32 $0x0;
	[sflag:s20] =	ssyncadd.s32 $0xFFFFC000  }
0x48: {  	v0 =	vld [tilespmem:s24+$0x10070]  }
0x49: {  	v1 =	vld [tilespmem:s24+$0x10000]  }
0x4a: {  	v2 =	vld [tilespmem:s24+$0x10010]  }
0x4b: {  	v3 =	vld [tilespmem:s24+$0x10020]  }
0x4c: {  	v4 =	vld [tilespmem:s24+$0x10030]  }
0x4d: {  	v5 =	vld [tilespmem:s24+$0x10040]  }
0x4e: {  	v6 =	vld [tilespmem:s24+$0x10050]  }
0x4f: {  	[tilespmem:s24+$0x4070] =	vst.add.f32.msk $0xffff, v0  }
0x50: {  	v0 =	vld [tilespmem:s24+$0x10060]  }
0x51: {  	[tilespmem:s24+$0x4000] =	vst.add.f32.msk $0xffff, v1  }
0x52: {  	[tilespmem:s24+$0x4010] =	vst.add.f32.msk $0xffff, v2  }
0x53: {  	[tilespmem:s24+$0x4020] =	vst.add.f32.msk $0xffff, v3  }
0x54: {  	[tilespmem:s24+$0x4030] =	vst.add.f32.msk $0xffff, v4  }
0x55: {  	[tilespmem:s24+$0x4040] =	vst.add.f32.msk $0xffff, v5  }
0x56: {  	s25 =	simm.s32 $0x0;
	s26 =	simm.s32 $0x200;
	[tilespmem:s24+$0x4050] =	vst.add.f32.msk $0xffff, v6  }
.LBB2_4:
0x57: {  	s25 =	sadd.s32 $0x80, s25;
	[tilespmem:s24+$0x4060] =	vst.add.f32.msk $0xffff, v0;
	s24 =	sshra.s32 s26, $0x2  }
0x58: {  	v0 =	vld [tilespmem:s24+$0x10070];
	p0 =	slt.u32 s25, $0x3F80  }
0x59: {  	v1 =	vld [tilespmem:s24+$0x10000]  }
0x5a: {  	v2 =	vld [tilespmem:s24+$0x10010]  }
0x5b: {  	v3 =	vld [tilespmem:s24+$0x10020]  }
0x5c: {  	v4 =	vld [tilespmem:s24+$0x10030]  }
0x5d: {  	[tilespmem:s24+$0x4070] =	vst.add.f32.msk $0xffff, v0  }
0x5e: {  	v5 =	vld [tilespmem:s24+$0x10040]  }
0x5f: {  	v6 =	vld [tilespmem:s24+$0x10050]  }
0x60: {  	v0 =	vld [tilespmem:s24+$0x10060]  }
0x61: {  	[tilespmem:s24+$0x4000] =	vst.add.f32.msk $0xffff, v1  }
.Ltmp1:
0x62: {  	[tilespmem:s24+$0x4010] =	vst.add.f32.msk $0xffff, v2;
	(pc) =	sbr.rel @p0 .LBB2_4-.Ltmp1, $4  }
0x63: {  	[tilespmem:s24+$0x4020] =	vst.add.f32.msk $0xffff, v3  }
0x64: {  	[tilespmem:s24+$0x4030] =	vst.add.f32.msk $0xffff, v4  }
0x65: {  	[tilespmem:s24+$0x4040] =	vst.add.f32.msk $0xffff, v5  }
0x66: {  	s26 =	sadd.s32 $0x200, s26;
	[tilespmem:s24+$0x4050] =	vst.add.f32.msk $0xffff, v6  }
0x67: {  	[tilespmem:s24+$0x4060] =	vst.add.f32.msk $0xffff, v0;
	s31 =	simm.s32 $0x0  }
0x68: {  	[hbm4b:s10+s31] =	stream.linear.scatter [tilespmem:s17], [sflag:$0x3], $0x4000, $0x38;
	[tilespmem:$0x14000] =	vst v63  }
0x69: {  	_ =	swait.ge [sflag:s22], $0x4000  }
0x6a: {  	[sflag:s22] =	ssyncset.done $0x0  }
0x6b: {  	[sflag:s22] =	ssyncadd.s32 $0xFFFFC000  }
0x6c: {  	[tilespmem:s31], [sflag:$0x1] =	stream.linear.gather [hbm4b:s11+s31], $0x4000, $0x38;
	[tilespmem:$0x14000] =	vst v63  }
0x6d: {  	_ = 	snop  }
0x6e: {  	[tilespmem:s18], [sflag:$0x2] =	stream.linear.gather [hbm4b:s12+s31], $0x4000, $0x38;
	[tilespmem:$0x14000] =	vst v63  }
0x6f: {  	_ =	swait.ge [sflag:s19], $0x4000  }
0x70: {  	[sflag:s19] =	ssyncset.done $0x0  }
0x71: {  	[sflag:s19] =	ssyncadd.s32 $0xFFFFC000  }
0x72: {  	_ =	swait.ge [sflag:s20], $0x4000  }
0x73: {  	[sflag:s20] =	ssyncset.done $0x0  }
0x74: {  	s24 =	simm.s32 $0x0;
	[sflag:s20] =	ssyncadd.s32 $0xFFFFC000  }
0x75: {  	v0 =	vld [tilespmem:s24+$0xC070]  }
0x76: {  	v1 =	vld [tilespmem:s24+$0xC000]  }
0x77: {  	v2 =	vld [tilespmem:s24+$0xC010]  }
0x78: {  	v3 =	vld [tilespmem:s24+$0xC020]  }
0x79: {  	v4 =	vld [tilespmem:s24+$0xC030]  }
0x7a: {  	v5 =	vld [tilespmem:s24+$0xC040]  }
0x7b: {  	v6 =	vld [tilespmem:s24+$0xC050]  }
0x7c: {  	[tilespmem:s24+$0x8070] =	vst.add.f32.msk $0xffff, v0  }
0x7d: {  	v0 =	vld [tilespmem:s24+$0xC060]  }
0x7e: {  	[tilespmem:s24+$0x8000] =	vst.add.f32.msk $0xffff, v1  }
0x7f: {  	[tilespmem:s24+$0x8010] =	vst.add.f32.msk $0xffff, v2  }
0x80: {  	[tilespmem:s24+$0x8020] =	vst.add.f32.msk $0xffff, v3  }
0x81: {  	[tilespmem:s24+$0x8030] =	vst.add.f32.msk $0xffff, v4  }
0x82: {  	[tilespmem:s24+$0x8040] =	vst.add.f32.msk $0xffff, v5  }
0x83: {  	s25 =	simm.s32 $0x0;
	s26 =	simm.s32 $0x200;
	[tilespmem:s24+$0x8050] =	vst.add.f32.msk $0xffff, v6  }
.LBB2_6:
0x84: {  	s25 =	sadd.s32 $0x80, s25;
	[tilespmem:s24+$0x8060] =	vst.add.f32.msk $0xffff, v0;
	s24 =	sshra.s32 s26, $0x2  }
0x85: {  	v0 =	vld [tilespmem:s24+$0xC070];
	p0 =	slt.u32 s25, $0x3F80  }
0x86: {  	v1 =	vld [tilespmem:s24+$0xC000]  }
0x87: {  	v2 =	vld [tilespmem:s24+$0xC010]  }
0x88: {  	v3 =	vld [tilespmem:s24+$0xC020]  }
0x89: {  	v4 =	vld [tilespmem:s24+$0xC030]  }
0x8a: {  	[tilespmem:s24+$0x8070] =	vst.add.f32.msk $0xffff, v0  }
0x8b: {  	v5 =	vld [tilespmem:s24+$0xC040]  }
0x8c: {  	v6 =	vld [tilespmem:s24+$0xC050]  }
0x8d: {  	v0 =	vld [tilespmem:s24+$0xC060]  }
0x8e: {  	[tilespmem:s24+$0x8000] =	vst.add.f32.msk $0xffff, v1  }
.Ltmp2:
0x8f: {  	[tilespmem:s24+$0x8010] =	vst.add.f32.msk $0xffff, v2;
	(pc) =	sbr.rel @p0 .LBB2_6-.Ltmp2, $4  }
0x90: {  	[tilespmem:s24+$0x8020] =	vst.add.f32.msk $0xffff, v3  }
0x91: {  	[tilespmem:s24+$0x8030] =	vst.add.f32.msk $0xffff, v4  }
0x92: {  	[tilespmem:s24+$0x8040] =	vst.add.f32.msk $0xffff, v5  }
0x93: {  	s26 =	sadd.s32 $0x200, s26;
	[tilespmem:s24+$0x8050] =	vst.add.f32.msk $0xffff, v6  }
0x94: {  	[tilespmem:s24+$0x8060] =	vst.add.f32.msk $0xffff, v0;
	s31 =	simm.s32 $0x0  }
0x95: {  	[hbm4b:s13+s31] =	stream.linear.scatter [tilespmem:s21], [sflag:$0x3], $0x4000, $0x38;
	[tilespmem:$0x14000] =	vst v63  }
0x96: {  	_ =	swait.ge [sflag:s19], $0x4000  }
0x97: {  	[sflag:s19] =	ssyncset.done $0x0  }
0x98: {  	[sflag:s19] =	ssyncadd.s32 $0xFFFFC000  }
0x99: {  	_ =	swait.ge [sflag:s20], $0x4000  }
0x9a: {  	[sflag:s20] =	ssyncset.done $0x0  }
0x9b: {  	s24 =	simm.s32 $0x0;
	[sflag:s20] =	ssyncadd.s32 $0xFFFFC000  }
0x9c: {  	v0 =	vld [tilespmem:s24+$0x10070]  }
0x9d: {  	v1 =	vld [tilespmem:s24+$0x10000]  }
0x9e: {  	v2 =	vld [tilespmem:s24+$0x10010]  }
0x9f: {  	v3 =	vld [tilespmem:s24+$0x10020]  }
0xa0: {  	v4 =	vld [tilespmem:s24+$0x10030]  }
0xa1: {  	v5 =	vld [tilespmem:s24+$0x10040]  }
0xa2: {  	v6 =	vld [tilespmem:s24+$0x10050]  }
0xa3: {  	[tilespmem:s24+$0x70] =	vst.add.f32.msk $0xffff, v0  }
0xa4: {  	v0 =	vld [tilespmem:s24+$0x10060]  }
0xa5: {  	[tilespmem:s24+$0x0] =	vst.add.f32.msk $0xffff, v1  }
0xa6: {  	[tilespmem:s24+$0x10] =	vst.add.f32.msk $0xffff, v2  }
0xa7: {  	[tilespmem:s24+$0x20] =	vst.add.f32.msk $0xffff, v3  }
0xa8: {  	[tilespmem:s24+$0x30] =	vst.add.f32.msk $0xffff, v4  }
0xa9: {  	[tilespmem:s24+$0x40] =	vst.add.f32.msk $0xffff, v5  }
0xaa: {  	s25 =	simm.s32 $0x0;
	s26 =	simm.s32 $0x200;
	[tilespmem:s24+$0x50] =	vst.add.f32.msk $0xffff, v6  }
.LBB2_8:
0xab: {  	s25 =	sadd.s32 $0x80, s25;
	[tilespmem:s24+$0x60] =	vst.add.f32.msk $0xffff, v0;
	s24 =	sshra.s32 s26, $0x2  }
0xac: {  	v0 =	vld [tilespmem:s24+$0x10070];
	p0 =	slt.u32 s25, $0x3F80  }
0xad: {  	v1 =	vld [tilespmem:s24+$0x10000]  }
0xae: {  	v2 =	vld [tilespmem:s24+$0x10010]  }
0xaf: {  	v3 =	vld [tilespmem:s24+$0x10020]  }
0xb0: {  	v4 =	vld [tilespmem:s24+$0x10030]  }
0xb1: {  	[tilespmem:s24+$0x70] =	vst.add.f32.msk $0xffff, v0  }
0xb2: {  	v5 =	vld [tilespmem:s24+$0x10040]  }
0xb3: {  	v6 =	vld [tilespmem:s24+$0x10050]  }
0xb4: {  	v0 =	vld [tilespmem:s24+$0x10060]  }
0xb5: {  	[tilespmem:s24+$0x0] =	vst.add.f32.msk $0xffff, v1  }
.Ltmp3:
0xb6: {  	[tilespmem:s24+$0x10] =	vst.add.f32.msk $0xffff, v2;
	(pc) =	sbr.rel @p0 .LBB2_8-.Ltmp3, $4  }
0xb7: {  	[tilespmem:s24+$0x20] =	vst.add.f32.msk $0xffff, v3  }
0xb8: {  	[tilespmem:s24+$0x30] =	vst.add.f32.msk $0xffff, v4  }
0xb9: {  	[tilespmem:s24+$0x40] =	vst.add.f32.msk $0xffff, v5  }
0xba: {  	s26 =	sadd.s32 $0x200, s26;
	[tilespmem:s24+$0x50] =	vst.add.f32.msk $0xffff, v6  }
0xbb: {  	[tilespmem:s24+$0x60] =	vst.add.f32.msk $0xffff, v0;
	s23 =	sadd.s32 $0x1, s23  }
0xbc: {  	[hbm4b:s14+s2] =	stream.linear.scatter [tilespmem:s2], [sflag:$0x3], $0x4000, $0x38;
	[tilespmem:$0x14000] =	vst v63  }
0xbd: {  	p0 =	sne.s32 s23, s15;
	_ =	swait.ge [sflag:s22], $0x4000  }
.Ltmp4:
0xbe: {  	[sflag:s22] =	ssyncset.done $0x0;
	(pc) =	sbr.rel @p0 .LBB2_1-.Ltmp4, $4  }
0xbf: {  	[sflag:s22] =	ssyncadd.s32 $0xFFFFC000  }
0xc0: {  	_ =	swait.ge [sflag:s22], $0x4000  }
0xc1: {  	[sflag:s22] =	ssyncset.done $0x0  }
0xc2: {  	[sflag:s22] =	ssyncadd.s32 $0xFFFFC000  }
0xc3: {  	_ =	sfence.sel $0x180000  }
0xc4: {  	[bflag:$0x0] =	sbarrier.arrive $0xFFFF  }
0xc5: {  	p0 =	sne.s32 s1, $0x0;
	_ =	strace $0x90000047  }
0xc6: {  	s0 =	sadd.s32 @!p0 $0x100000, s0;
	[bflag:$0x2] =	sbarrier.arrive $0xFFFF  }
0xc7: {  	[sflag:s0] =	ssyncadd.tile.s32 @!p0 $0x1;
	_ =	shalt  }
.Lfunc_end2:
_tile_overlayer_lowered:
.L_overlay_start_2:
0xc8: {  	(tag) =	ssettag $0x2  }
0xc9: {  	s0 =	rddreg [dreg:$0x0];
	s2 =	stileid.u32  }
0xca: {  	s1 =	rddreg [dreg:$0x1];
	p0 =	sne.s32 s2, $0x0  }
0xcb: {  	s3 =	rddreg [dreg:$0x2];
	[bflag:$0x3] =	sbarrier.arrive $0xFFFF;
	s2 =	simm.s32 @!p0 $0x1C04  }
0xcc: {  	[timem:s3], [sflag:s2] =	dma.local @!p0 [hbm:s0], s1  }
0xcd: {  	s0 =	simm.s32 @!p0 $0x4  }
0xce: {  	_ =	swait.ge @!p0 [sflag:s0], s1  }
0xcf: {  	s1 =	ssub.s32 @!p0 $0x0, s1;
	[sflag:s0] =	ssyncset.done @!p0 $0x0  }
0xd0: {  	[sflag:s0] =	ssyncadd.s32 @!p0 s1  }
0xd1: {  	[bflag:$0x3] =	sbarrier.arrive $0xFFFF  }
0xd2: {  	_ =	shalt  }

</sc_bundles>
